<compile_context>
chip_gen: v7x
topology: tpu7x:2x2x1
jax: 0.10.2.dev20260603
libtpu: 0.0.44.dev20260713+nightly
codegen_flags: <defaults>
</compile_context>

<pallas_src>
import jax
import jax.numpy as jnp
from jax import lax
from jax.experimental import pallas as pl
from jax.experimental.pallas import tpu as pltpu

_N_TOTAL = 8388608
_CAPACITY = 1048576

_MAP_COLS = 1024
_MAP_ROWS = _N_TOTAL // _MAP_COLS
_IDX_COLS = 1024
_IDX_ROWS = _CAPACITY // _IDX_COLS

_GRID = 32
_MAP_BLK_R = _MAP_ROWS // _GRID
_IDX_BLK_R = _IDX_ROWS // _GRID
_MAP_BLK_ELEMS = _MAP_BLK_R * _MAP_COLS
_IDX_BLK_ELEMS = _IDX_BLK_R * _IDX_COLS


def _body(s_ref, map_in, idx_in, map_out, na_out, idx_out):
    i = pl.program_id(0)
    bi = s_ref[0]
    na = s_ref[1]

    @pl.when(i == 0)
    def _():
        m = map_in[...]
        rows = lax.broadcasted_iota(jnp.int32, (_MAP_BLK_R, _MAP_COLS), 0)
        cols = lax.broadcasted_iota(jnp.int32, (_MAP_BLK_R, _MAP_COLS), 1)
        lr = (bi // _MAP_COLS) % _MAP_BLK_R
        lc = bi % _MAP_COLS
        hit = (rows == lr) & (cols == lc) & (m < 0)
        act = jnp.any(hit)
        map_out[...] = jnp.where(hit, na, m)
        na_out[0] = na + act.astype(jnp.int32)

        x = idx_in[...]
        rows2 = lax.broadcasted_iota(jnp.int32, (_IDX_BLK_R, _IDX_COLS), 0)
        cols2 = lax.broadcasted_iota(jnp.int32, (_IDX_BLK_R, _IDX_COLS), 1)
        plr = (na // _IDX_COLS) % _IDX_BLK_R
        plc = na % _IDX_COLS
        hit2 = (rows2 == plr) & (cols2 == plc) & act
        idx_out[...] = jnp.where(hit2, bi.astype(jnp.float32), x)

    @pl.when(i != 0)
    def _():
        map_out[...] = map_in[...]
        idx_out[...] = idx_in[...]


def kernel(block_index_map, n_active, block_indices, block_index):
    bi = jnp.asarray(block_index, jnp.int32)
    na = jnp.asarray(n_active, jnp.int32)
    scalars = jnp.stack([bi, na])

    map2d = block_index_map.reshape(_MAP_ROWS, _MAP_COLS)
    idx2d = block_indices.reshape(_IDX_ROWS, _IDX_COLS)

    grid_spec = pltpu.PrefetchScalarGridSpec(
        num_scalar_prefetch=1,
        grid=(_GRID,),
        in_specs=[
            pl.BlockSpec(
                (_MAP_BLK_R, _MAP_COLS),
                lambda i, s: (((s[0] // _MAP_BLK_ELEMS) + i) % _GRID, 0),
            ),
            pl.BlockSpec(
                (_IDX_BLK_R, _IDX_COLS),
                lambda i, s: (((s[1] // _IDX_BLK_ELEMS) + i) % _GRID, 0),
            ),
        ],
        out_specs=[
            pl.BlockSpec(
                (_MAP_BLK_R, _MAP_COLS),
                lambda i, s: (((s[0] // _MAP_BLK_ELEMS) + i) % _GRID, 0),
            ),
            pl.BlockSpec(memory_space=pltpu.SMEM),
            pl.BlockSpec(
                (_IDX_BLK_R, _IDX_COLS),
                lambda i, s: (((s[1] // _IDX_BLK_ELEMS) + i) % _GRID, 0),
            ),
        ],
    )

    new_map, na_out, new_idx = pl.pallas_call(
        _body,
        grid_spec=grid_spec,
        out_shape=(
            jax.ShapeDtypeStruct((_MAP_ROWS, _MAP_COLS), jnp.int32),
            jax.ShapeDtypeStruct((1,), jnp.int32),
            jax.ShapeDtypeStruct((_IDX_ROWS, _IDX_COLS), jnp.float32),
        ),
    )(scalars, map2d, idx2d)

    return new_map.reshape(-1), na_out[0], new_idx.reshape(-1)

# --- scband reference (transcript-rebuilt; emitter-appended) ---
"""Pipeline reference for scband-amrlevel-12292196402036 (READ-ONLY COPY).

The authoritative reference and input builder live on the scoring server;
editing this copy changes nothing except your own understanding.
"""

import jax, jax.numpy as jnp
import numpy as np

N_TOTAL = 8388608
CAPACITY = 1048576
N_ACTIVE = 65536


def setup_inputs() -> dict:
    rng = np.random.default_rng(0)
    picks = rng.choice(N_TOTAL, size=N_ACTIVE + 1, replace=False)
    active = picks[:N_ACTIVE]
    bim = np.full((N_TOTAL,), -1, dtype=np.int32)
    bim[active] = np.arange(N_ACTIVE, dtype=np.int32)
    block_indices = np.zeros((CAPACITY,), dtype=np.float32)
    block_indices[:N_ACTIVE] = active.astype(np.float32)
    block_index = int(picks[N_ACTIVE])  # guaranteed currently inactive -> triggers activation path
    return {
        "block_index_map": jnp.asarray(bim),
        "n_active": N_ACTIVE,
        "block_indices": jnp.asarray(block_indices),
        "block_index": block_index,
    }


def reference(block_index_map, n_active, block_indices, block_index):
    # Faithful translation of AMRLevel.with_block_active: returns the new
    # (block_index_map, n_active, block_indices) state triple.
    n_active = jnp.asarray(n_active, dtype=jnp.int32)

    def keep():
        return block_index_map, n_active, block_indices

    def activate():
        new_map = block_index_map.at[block_index].set(n_active)
        new_indices = jax.tree.map(
            lambda a, idx: a.at[n_active].set(jnp.asarray(idx, a.dtype)),
            block_indices,
            block_index,
        )
        return new_map, n_active + jnp.int32(1), new_indices

    return jax.lax.cond(block_index_map[block_index] >= 0, keep, activate)

if __name__ == "__main__":
    import jax
    _d = setup_inputs()
    print(jax.jit(kernel)(*tuple(_d.values())))

</pallas_src>

<mosaic_0001>
module attributes {stable_mosaic.version = 14 : i64} {
  func.func @_body(%arg0: i32, %arg1: memref<2xi32, #tpu.memory_space<smem>>, %arg2: memref<256x1024xi32, #tpu.memory_space<vmem>>, %arg3: memref<32x1024xf32, #tpu.memory_space<vmem>>, %arg4: memref<256x1024xi32, #tpu.memory_space<vmem>>, %arg5: memref<1xi32, #tpu.memory_space<smem>>, %arg6: memref<32x1024xf32, #tpu.memory_space<vmem>>) attributes {dimension_semantics = [#tpu.dimension_semantics<arbitrary>], iteration_bounds = array<i64: 32>, scalar_prefetch = 1 : i64, scratch_operands = 0 : i64, tpu.core_type = #tpu.core_type<tc>, window_params = [{transform_indices = @transform_0, window_bounds = array<i64: 256, 1024>}, {transform_indices = @transform_1, window_bounds = array<i64: 32, 1024>}, {transform_indices = @transform_2, window_bounds = array<i64: 256, 1024>}, {transform_indices = @transform_3, window_bounds = array<i64: 1>}, {transform_indices = @transform_4, window_bounds = array<i64: 32, 1024>}]} {
    %get3A = arith.constant 0 : index
    %get3A_0 = memref.load %arg1[%get3A] : memref<2xi32, #tpu.memory_space<smem>>
    %get3A_1 = arith.constant 1 : index
    %get3A_2 = memref.load %arg1[%get3A_1] : memref<2xi32, #tpu.memory_space<smem>>
    %eq3A = arith.constant 0 : i32
    %eq3A_3 = arith.cmpi eq, %arg0, %eq3A : i32
    %convert_element_type3A = arith.extui %eq3A_3 : i1 to i32
    %cond3A = arith.constant 0 : i32
    %cond3A_4 = arith.cmpi ne, %convert_element_type3A, %cond3A : i32
    scf.if %cond3A_4 {
      %get3A_9 = arith.constant 0 : index
      %get3A_10 = arith.constant 0 : index
      %get3A_11 = vector.load %arg2[%get3A_9, %get3A_10] : memref<256x1024xi32, #tpu.memory_space<vmem>>, vector<256x1024xi32>
      %iota3A = tpu.iota {dimensions = array<i32: 0>} : vector<256x1024xi32>
      %iota3A_12 = tpu.iota {dimensions = array<i32: 1>} : vector<256x1024xi32>
      %jit3A = arith.constant 1024 : i32
      %div3A = arith.divsi %get3A_0, %jit3A : i32
      %sign3A = arith.constant 0 : i32
      %sign3A_13 = arith.cmpi sgt, %get3A_0, %sign3A : i32
      %sign3A_14 = arith.extui %sign3A_13 : i1 to i32
      %sign3A_15 = arith.constant 0 : i32
      %sign3A_16 = arith.cmpi slt, %get3A_0, %sign3A_15 : i32
      %sign3A_17 = arith.extui %sign3A_16 : i1 to i32
      %sign3A_18 = arith.subi %sign3A_14, %sign3A_17 : i32
      %sign3A_19 = arith.constant 0 : i32
      %sign3A_20 = arith.cmpi sgt, %jit3A, %sign3A_19 : i32
      %sign3A_21 = arith.extui %sign3A_20 : i1 to i32
      %sign3A_22 = arith.constant 0 : i32
      %sign3A_23 = arith.cmpi slt, %jit3A, %sign3A_22 : i32
      %sign3A_24 = arith.extui %sign3A_23 : i1 to i32
      %sign3A_25 = arith.subi %sign3A_21, %sign3A_24 : i32
      %ne3A_26 = arith.cmpi ne, %sign3A_18, %sign3A_25 : i32
      %rem3A = arith.remsi %get3A_0, %jit3A : i32
      %ne3A_27 = arith.constant 0 : i32
      %ne3A_28 = arith.cmpi ne, %rem3A, %ne3A_27 : i32
      %and3A = arith.andi %ne3A_26, %ne3A_28 : i1
      %sub3A = arith.constant 1 : i32
      %sub3A_29 = arith.subi %div3A, %sub3A : i32
      %select_n3A = arith.select %and3A, %sub3A_29, %div3A : i32
      %jit3A_30 = arith.constant 256 : i32
      %eq3A_31 = arith.constant 0 : i32
      %eq3A_32 = arith.cmpi eq, %jit3A_30, %eq3A_31 : i32
      %jit3A_33 = arith.constant 1 : i32
      %select_n3A_34 = arith.select %eq3A_32, %jit3A_33, %jit3A_30 : i32
      %rem3A_35 = arith.remsi %select_n3A, %select_n3A_34 : i32
      %ne3A_36 = arith.constant 0 : i32
      %ne3A_37 = arith.cmpi ne, %rem3A_35, %ne3A_36 : i32
      %lt3A = arith.constant 0 : i32
      %lt3A_38 = arith.cmpi slt, %rem3A_35, %lt3A : i32
      %lt3A_39 = arith.constant 0 : i32
      %lt3A_40 = arith.cmpi slt, %select_n3A_34, %lt3A_39 : i32
      %ne3A_41 = arith.xori %lt3A_38, %lt3A_40 : i1
      %and3A_42 = arith.andi %ne3A_41, %ne3A_37 : i1
      %add3A = arith.addi %rem3A_35, %select_n3A_34 : i32
      %select_n3A_43 = arith.select %and3A_42, %add3A, %rem3A_35 : i32
      %jit3A_44 = arith.constant 1024 : i32
      %eq3A_45 = arith.constant 0 : i32
      %eq3A_46 = arith.cmpi eq, %jit3A_44, %eq3A_45 : i32
      %jit3A_47 = arith.constant 1 : i32
      %select_n3A_48 = arith.select %eq3A_46, %jit3A_47, %jit3A_44 : i32
      %rem3A_49 = arith.remsi %get3A_0, %select_n3A_48 : i32
      %ne3A_50 = arith.constant 0 : i32
      %ne3A_51 = arith.cmpi ne, %rem3A_49, %ne3A_50 : i32
      %lt3A_52 = arith.constant 0 : i32
      %lt3A_53 = arith.cmpi slt, %rem3A_49, %lt3A_52 : i32
      %lt3A_54 = arith.constant 0 : i32
      %lt3A_55 = arith.cmpi slt, %select_n3A_48, %lt3A_54 : i32
      %ne3A_56 = arith.xori %lt3A_53, %lt3A_55 : i1
      %and3A_57 = arith.andi %ne3A_56, %ne3A_51 : i1
      %add3A_58 = arith.addi %rem3A_49, %select_n3A_48 : i32
      %select_n3A_59 = arith.select %and3A_57, %add3A_58, %rem3A_49 : i32
      %eq3A_60 = vector.broadcast %select_n3A_43 : i32 to vector<256x1024xi32>
      %eq3A_61 = arith.cmpi eq, %iota3A, %eq3A_60 : vector<256x1024xi32>
      %eq3A_62 = vector.broadcast %select_n3A_59 : i32 to vector<256x1024xi32>
      %eq3A_63 = arith.cmpi eq, %iota3A_12, %eq3A_62 : vector<256x1024xi32>
      %and3A_64 = arith.andi %eq3A_61, %eq3A_63 : vector<256x1024xi1>
      %lt3A_65 = arith.constant 0 : i32
      %lt3A_66 = vector.broadcast %lt3A_65 : i32 to vector<256x1024xi32>
      %lt3A_67 = arith.cmpi slt, %get3A_11, %lt3A_66 : vector<256x1024xi32>
      %and3A_68 = arith.andi %and3A_64, %lt3A_67 : vector<256x1024xi1>
      %reduce_or3A = arith.constant 1.000000e+00 : f32
      %reduce_or3A_69 = arith.constant 0.000000e+00 : f32
      %reduce_or3A_70 = vector.broadcast %reduce_or3A : f32 to vector<256x1024xf32>
      %reduce_or3A_71 = vector.broadcast %reduce_or3A_69 : f32 to vector<256x1024xf32>
      %reduce_or3A_72 = arith.select %and3A_68, %reduce_or3A_70, %reduce_or3A_71 : vector<256x1024xi1>, vector<256x1024xf32>
      %reduce_or3A_73 = vector.shape_cast %reduce_or3A_72 : vector<256x1024xf32> to vector<1x256x1024xf32>
      %reduce_or3A_74 = arith.constant dense<0xFF800000> : vector<1xf32>
      %reduce_or3A_75 = vector.multi_reduction <maximumf>, %reduce_or3A_73, %reduce_or3A_74 [1, 2] : vector<1x256x1024xf32> to vector<1xf32>
      %reduce_or3A_76 = vector.shape_cast %reduce_or3A_75 : vector<1xf32> to vector<1x1x1xf32>
      %reduce_or3A_77 = vector.extract %reduce_or3A_76[0, 0, 0] : f32 from vector<1x1x1xf32>
      %reduce_or3A_78 = arith.constant 0.000000e+00 : f32
      %reduce_or3A_79 = arith.cmpf ogt, %reduce_or3A_77, %reduce_or3A_78 : f32
      %broadcast_in_dim3A = vector.broadcast %get3A_2 : i32 to vector<256x1024xi32>
      %select_n3A_80 = arith.select %and3A_68, %broadcast_in_dim3A, %get3A_11 : vector<256x1024xi1>, vector<256x1024xi32>
      %swap3A = arith.constant 0 : index
      %swap3A_81 = arith.constant 0 : index
      %swap3A_82 = vector.load %arg4[%swap3A, %swap3A_81] : memref<256x1024xi32, #tpu.memory_space<vmem>>, vector<256x1024xi32>
      tpu.vector_store %arg4[%swap3A, %swap3A_81], %select_n3A_80 {strides = array<i32>} : memref<256x1024xi32, #tpu.memory_space<vmem>>, vector<256x1024xi32>,
      %convert_element_type3A_83 = arith.extui %reduce_or3A_79 : i1 to i32
      %add3A_84 = arith.addi %get3A_2, %convert_element_type3A_83 : i32
      %swap3A_85 = arith.constant 0 : index
      %swap3A_86 = memref.load %arg5[%swap3A_85] : memref<1xi32, #tpu.memory_space<smem>>
      memref.store %add3A_84, %arg5[%swap3A_85] : memref<1xi32, #tpu.memory_space<smem>>
      %get3A_87 = arith.constant 0 : index
      %get3A_88 = arith.constant 0 : index
      %get3A_89 = vector.load %arg3[%get3A_87, %get3A_88] : memref<32x1024xf32, #tpu.memory_space<vmem>>, vector<32x1024xf32>
      %iota3A_90 = tpu.iota {dimensions = array<i32: 0>} : vector<32x1024xi32>
      %iota3A_91 = tpu.iota {dimensions = array<i32: 1>} : vector<32x1024xi32>
      %jit3A_92 = arith.constant 1024 : i32
      %div3A_93 = arith.divsi %get3A_2, %jit3A_92 : i32
      %sign3A_94 = arith.constant 0 : i32
      %sign3A_95 = arith.cmpi sgt, %get3A_2, %sign3A_94 : i32
      %sign3A_96 = arith.extui %sign3A_95 : i1 to i32
      %sign3A_97 = arith.constant 0 : i32
      %sign3A_98 = arith.cmpi slt, %get3A_2, %sign3A_97 : i32
      %sign3A_99 = arith.extui %sign3A_98 : i1 to i32
      %sign3A_100 = arith.subi %sign3A_96, %sign3A_99 : i32
      %sign3A_101 = arith.constant 0 : i32
      %sign3A_102 = arith.cmpi sgt, %jit3A_92, %sign3A_101 : i32
      %sign3A_103 = arith.extui %sign3A_102 : i1 to i32
      %sign3A_104 = arith.constant 0 : i32
      %sign3A_105 = arith.cmpi slt, %jit3A_92, %sign3A_104 : i32
      %sign3A_106 = arith.extui %sign3A_105 : i1 to i32
      %sign3A_107 = arith.subi %sign3A_103, %sign3A_106 : i32
      %ne3A_108 = arith.cmpi ne, %sign3A_100, %sign3A_107 : i32
      %rem3A_109 = arith.remsi %get3A_2, %jit3A_92 : i32
      %ne3A_110 = arith.constant 0 : i32
      %ne3A_111 = arith.cmpi ne, %rem3A_109, %ne3A_110 : i32
      %and3A_112 = arith.andi %ne3A_108, %ne3A_111 : i1
      %sub3A_113 = arith.constant 1 : i32
      %sub3A_114 = arith.subi %div3A_93, %sub3A_113 : i32
      %select_n3A_115 = arith.select %and3A_112, %sub3A_114, %div3A_93 : i32
      %jit3A_116 = arith.constant 32 : i32
      %eq3A_117 = arith.constant 0 : i32
      %eq3A_118 = arith.cmpi eq, %jit3A_116, %eq3A_117 : i32
      %jit3A_119 = arith.constant 1 : i32
      %select_n3A_120 = arith.select %eq3A_118, %jit3A_119, %jit3A_116 : i32
      %rem3A_121 = arith.remsi %select_n3A_115, %select_n3A_120 : i32
      %ne3A_122 = arith.constant 0 : i32
      %ne3A_123 = arith.cmpi ne, %rem3A_121, %ne3A_122 : i32
      %lt3A_124 = arith.constant 0 : i32
      %lt3A_125 = arith.cmpi slt, %rem3A_121, %lt3A_124 : i32
      %lt3A_126 = arith.constant 0 : i32
      %lt3A_127 = arith.cmpi slt, %select_n3A_120, %lt3A_126 : i32
      %ne3A_128 = arith.xori %lt3A_125, %lt3A_127 : i1
      %and3A_129 = arith.andi %ne3A_128, %ne3A_123 : i1
      %add3A_130 = arith.addi %rem3A_121, %select_n3A_120 : i32
      %select_n3A_131 = arith.select %and3A_129, %add3A_130, %rem3A_121 : i32
      %jit3A_132 = arith.constant 1024 : i32
      %eq3A_133 = arith.constant 0 : i32
      %eq3A_134 = arith.cmpi eq, %jit3A_132, %eq3A_133 : i32
      %jit3A_135 = arith.constant 1 : i32
      %select_n3A_136 = arith.select %eq3A_134, %jit3A_135, %jit3A_132 : i32
      %rem3A_137 = arith.remsi %get3A_2, %select_n3A_136 : i32
      %ne3A_138 = arith.constant 0 : i32
      %ne3A_139 = arith.cmpi ne, %rem3A_137, %ne3A_138 : i32
      %lt3A_140 = arith.constant 0 : i32
      %lt3A_141 = arith.cmpi slt, %rem3A_137, %lt3A_140 : i32
      %lt3A_142 = arith.constant 0 : i32
      %lt3A_143 = arith.cmpi slt, %select_n3A_136, %lt3A_142 : i32
      %ne3A_144 = arith.xori %lt3A_141, %lt3A_143 : i1
      %and3A_145 = arith.andi %ne3A_144, %ne3A_139 : i1
      %add3A_146 = arith.addi %rem3A_137, %select_n3A_136 : i32
      %select_n3A_147 = arith.select %and3A_145, %add3A_146, %rem3A_137 : i32
      %eq3A_148 = vector.broadcast %select_n3A_131 : i32 to vector<32x1024xi32>
      %eq3A_149 = arith.cmpi eq, %iota3A_90, %eq3A_148 : vector<32x1024xi32>
      %eq3A_150 = vector.broadcast %select_n3A_147 : i32 to vector<32x1024xi32>
      %eq3A_151 = arith.cmpi eq, %iota3A_91, %eq3A_150 : vector<32x1024xi32>
      %and3A_152 = arith.andi %eq3A_149, %eq3A_151 : vector<32x1024xi1>
      %and3A_153 = vector.broadcast %reduce_or3A_79 : i1 to vector<32x1024xi1>
      %and3A_154 = arith.andi %and3A_152, %and3A_153 : vector<32x1024xi1>
      %convert_element_type3A_155 = arith.sitofp %get3A_0 : i32 to f32
      %broadcast_in_dim3A_156 = vector.broadcast %convert_element_type3A_155 : f32 to vector<32x1024xf32>
      %select_n3A_157 = arith.select %and3A_154, %broadcast_in_dim3A_156, %get3A_89 : vector<32x1024xi1>, vector<32x1024xf32>
      %swap3A_158 = arith.constant 0 : index
      %swap3A_159 = arith.constant 0 : index
      %swap3A_160 = vector.load %arg6[%swap3A_158, %swap3A_159] : memref<32x1024xf32, #tpu.memory_space<vmem>>, vector<32x1024xf32>
      tpu.vector_store %arg6[%swap3A_158, %swap3A_159], %select_n3A_157 {strides = array<i32>} : memref<32x1024xf32, #tpu.memory_space<vmem>>, vector<32x1024xf32>,
    } else {
    }
    %ne3A = arith.constant 0 : i32
    %ne3A_5 = arith.cmpi ne, %arg0, %ne3A : i32
    %convert_element_type3A_6 = arith.extui %ne3A_5 : i1 to i32
    %cond3A_7 = arith.constant 0 : i32
    %cond3A_8 = arith.cmpi ne, %convert_element_type3A_6, %cond3A_7 : i32
    scf.if %cond3A_8 {
      %get3A_9 = arith.constant 0 : index
      %get3A_10 = arith.constant 0 : index
      %get3A_11 = vector.load %arg2[%get3A_9, %get3A_10] : memref<256x1024xi32, #tpu.memory_space<vmem>>, vector<256x1024xi32>
      %swap3A = arith.constant 0 : index
      %swap3A_12 = arith.constant 0 : index
      %swap3A_13 = vector.load %arg4[%swap3A, %swap3A_12] : memref<256x1024xi32, #tpu.memory_space<vmem>>, vector<256x1024xi32>
      tpu.vector_store %arg4[%swap3A, %swap3A_12], %get3A_11 {strides = array<i32>} : memref<256x1024xi32, #tpu.memory_space<vmem>>, vector<256x1024xi32>,
      %get3A_14 = arith.constant 0 : index
      %get3A_15 = arith.constant 0 : index
      %get3A_16 = vector.load %arg3[%get3A_14, %get3A_15] : memref<32x1024xf32, #tpu.memory_space<vmem>>, vector<32x1024xf32>
      %swap3A_17 = arith.constant 0 : index
      %swap3A_18 = arith.constant 0 : index
      %swap3A_19 = vector.load %arg6[%swap3A_17, %swap3A_18] : memref<32x1024xf32, #tpu.memory_space<vmem>>, vector<32x1024xf32>
      tpu.vector_store %arg6[%swap3A_17, %swap3A_18], %get3A_16 {strides = array<i32>} : memref<32x1024xf32, #tpu.memory_space<vmem>>, vector<32x1024xf32>,
    } else {
    }
    return
  }
  func.func @transform_0(%arg0: i32, %arg1: memref<2xi32, #tpu.memory_space<smem>>) -> (i32, i32) {
    %get3A = arith.constant 0 : index
    %get3A_0 = memref.load %arg1[%get3A] : memref<2xi32, #tpu.memory_space<smem>>
    %jit3A = arith.constant 262144 : i32
    %div3A = arith.divsi %get3A_0, %jit3A : i32
    %sign3A = arith.constant 0 : i32
    %sign3A_1 = arith.cmpi sgt, %get3A_0, %sign3A : i32
    %sign3A_2 = arith.extui %sign3A_1 : i1 to i32
    %sign3A_3 = arith.constant 0 : i32
    %sign3A_4 = arith.cmpi slt, %get3A_0, %sign3A_3 : i32
    %sign3A_5 = arith.extui %sign3A_4 : i1 to i32
    %sign3A_6 = arith.subi %sign3A_2, %sign3A_5 : i32
    %sign3A_7 = arith.constant 0 : i32
    %sign3A_8 = arith.cmpi sgt, %jit3A, %sign3A_7 : i32
    %sign3A_9 = arith.extui %sign3A_8 : i1 to i32
    %sign3A_10 = arith.constant 0 : i32
    %sign3A_11 = arith.cmpi slt, %jit3A, %sign3A_10 : i32
    %sign3A_12 = arith.extui %sign3A_11 : i1 to i32
    %sign3A_13 = arith.subi %sign3A_9, %sign3A_12 : i32
    %ne3A = arith.cmpi ne, %sign3A_6, %sign3A_13 : i32
    %rem3A = arith.remsi %get3A_0, %jit3A : i32
    %ne3A_14 = arith.constant 0 : i32
    %ne3A_15 = arith.cmpi ne, %rem3A, %ne3A_14 : i32
    %and3A = arith.andi %ne3A, %ne3A_15 : i1
    %sub3A = arith.constant 1 : i32
    %sub3A_16 = arith.subi %div3A, %sub3A : i32
    %select_n3A = arith.select %and3A, %sub3A_16, %div3A : i32
    %add3A = arith.addi %select_n3A, %arg0 : i32
    %jit3A_17 = arith.constant 32 : i32
    %eq3A = arith.constant 0 : i32
    %eq3A_18 = arith.cmpi eq, %jit3A_17, %eq3A : i32
    %jit3A_19 = arith.constant 1 : i32
    %select_n3A_20 = arith.select %eq3A_18, %jit3A_19, %jit3A_17 : i32
    %rem3A_21 = arith.remsi %add3A, %select_n3A_20 : i32
    %ne3A_22 = arith.constant 0 : i32
    %ne3A_23 = arith.cmpi ne, %rem3A_21, %ne3A_22 : i32
    %lt3A = arith.constant 0 : i32
    %lt3A_24 = arith.cmpi slt, %rem3A_21, %lt3A : i32
    %lt3A_25 = arith.constant 0 : i32
    %lt3A_26 = arith.cmpi slt, %select_n3A_20, %lt3A_25 : i32
    %ne3A_27 = arith.xori %lt3A_24, %lt3A_26 : i1
    %and3A_28 = arith.andi %ne3A_27, %ne3A_23 : i1
    %add3A_29 = arith.addi %rem3A_21, %select_n3A_20 : i32
    %select_n3A_30 = arith.select %and3A_28, %add3A_29, %rem3A_21 : i32
    %c0_i32 = arith.constant 0 : i32
    %c0_i32_31 = arith.constant 0 : i32
    return %select_n3A_30, %c0_i32 : i32, i32
  }
  func.func @transform_1(%arg0: i32, %arg1: memref<2xi32, #tpu.memory_space<smem>>) -> (i32, i32) {
    %get3A = arith.constant 1 : index
    %get3A_0 = memref.load %arg1[%get3A] : memref<2xi32, #tpu.memory_space<smem>>
    %jit3A = arith.constant 32768 : i32
    %div3A = arith.divsi %get3A_0, %jit3A : i32
    %sign3A = arith.constant 0 : i32
    %sign3A_1 = arith.cmpi sgt, %get3A_0, %sign3A : i32
    %sign3A_2 = arith.extui %sign3A_1 : i1 to i32
    %sign3A_3 = arith.constant 0 : i32
    %sign3A_4 = arith.cmpi slt, %get3A_0, %sign3A_3 : i32
    %sign3A_5 = arith.extui %sign3A_4 : i1 to i32
    %sign3A_6 = arith.subi %sign3A_2, %sign3A_5 : i32
    %sign3A_7 = arith.constant 0 : i32
    %sign3A_8 = arith.cmpi sgt, %jit3A, %sign3A_7 : i32
    %sign3A_9 = arith.extui %sign3A_8 : i1 to i32
    %sign3A_10 = arith.constant 0 : i32
    %sign3A_11 = arith.cmpi slt, %jit3A, %sign3A_10 : i32
    %sign3A_12 = arith.extui %sign3A_11 : i1 to i32
    %sign3A_13 = arith.subi %sign3A_9, %sign3A_12 : i32
    %ne3A = arith.cmpi ne, %sign3A_6, %sign3A_13 : i32
    %rem3A = arith.remsi %get3A_0, %jit3A : i32
    %ne3A_14 = arith.constant 0 : i32
    %ne3A_15 = arith.cmpi ne, %rem3A, %ne3A_14 : i32
    %and3A = arith.andi %ne3A, %ne3A_15 : i1
    %sub3A = arith.constant 1 : i32
    %sub3A_16 = arith.subi %div3A, %sub3A : i32
    %select_n3A = arith.select %and3A, %sub3A_16, %div3A : i32
    %add3A = arith.addi %select_n3A, %arg0 : i32
    %jit3A_17 = arith.constant 32 : i32
    %eq3A = arith.constant 0 : i32
    %eq3A_18 = arith.cmpi eq, %jit3A_17, %eq3A : i32
    %jit3A_19 = arith.constant 1 : i32
    %select_n3A_20 = arith.select %eq3A_18, %jit3A_19, %jit3A_17 : i32
    %rem3A_21 = arith.remsi %add3A, %select_n3A_20 : i32
    %ne3A_22 = arith.constant 0 : i32
    %ne3A_23 = arith.cmpi ne, %rem3A_21, %ne3A_22 : i32
    %lt3A = arith.constant 0 : i32
    %lt3A_24 = arith.cmpi slt, %rem3A_21, %lt3A : i32
    %lt3A_25 = arith.constant 0 : i32
    %lt3A_26 = arith.cmpi slt, %select_n3A_20, %lt3A_25 : i32
    %ne3A_27 = arith.xori %lt3A_24, %lt3A_26 : i1
    %and3A_28 = arith.andi %ne3A_27, %ne3A_23 : i1
    %add3A_29 = arith.addi %rem3A_21, %select_n3A_20 : i32
    %select_n3A_30 = arith.select %and3A_28, %add3A_29, %rem3A_21 : i32
    %c0_i32 = arith.constant 0 : i32
    %c0_i32_31 = arith.constant 0 : i32
    return %select_n3A_30, %c0_i32 : i32, i32
  }
  func.func @transform_2(%arg0: i32, %arg1: memref<2xi32, #tpu.memory_space<smem>>) -> (i32, i32) {
    %get3A = arith.constant 0 : index
    %get3A_0 = memref.load %arg1[%get3A] : memref<2xi32, #tpu.memory_space<smem>>
    %jit3A = arith.constant 262144 : i32
    %div3A = arith.divsi %get3A_0, %jit3A : i32
    %sign3A = arith.constant 0 : i32
    %sign3A_1 = arith.cmpi sgt, %get3A_0, %sign3A : i32
    %sign3A_2 = arith.extui %sign3A_1 : i1 to i32
    %sign3A_3 = arith.constant 0 : i32
    %sign3A_4 = arith.cmpi slt, %get3A_0, %sign3A_3 : i32
    %sign3A_5 = arith.extui %sign3A_4 : i1 to i32
    %sign3A_6 = arith.subi %sign3A_2, %sign3A_5 : i32
    %sign3A_7 = arith.constant 0 : i32
    %sign3A_8 = arith.cmpi sgt, %jit3A, %sign3A_7 : i32
    %sign3A_9 = arith.extui %sign3A_8 : i1 to i32
    %sign3A_10 = arith.constant 0 : i32
    %sign3A_11 = arith.cmpi slt, %jit3A, %sign3A_10 : i32
    %sign3A_12 = arith.extui %sign3A_11 : i1 to i32
    %sign3A_13 = arith.subi %sign3A_9, %sign3A_12 : i32
    %ne3A = arith.cmpi ne, %sign3A_6, %sign3A_13 : i32
    %rem3A = arith.remsi %get3A_0, %jit3A : i32
    %ne3A_14 = arith.constant 0 : i32
    %ne3A_15 = arith.cmpi ne, %rem3A, %ne3A_14 : i32
    %and3A = arith.andi %ne3A, %ne3A_15 : i1
    %sub3A = arith.constant 1 : i32
    %sub3A_16 = arith.subi %div3A, %sub3A : i32
    %select_n3A = arith.select %and3A, %sub3A_16, %div3A : i32
    %add3A = arith.addi %select_n3A, %arg0 : i32
    %jit3A_17 = arith.constant 32 : i32
    %eq3A = arith.constant 0 : i32
    %eq3A_18 = arith.cmpi eq, %jit3A_17, %eq3A : i32
    %jit3A_19 = arith.constant 1 : i32
    %select_n3A_20 = arith.select %eq3A_18, %jit3A_19, %jit3A_17 : i32
    %rem3A_21 = arith.remsi %add3A, %select_n3A_20 : i32
    %ne3A_22 = arith.constant 0 : i32
    %ne3A_23 = arith.cmpi ne, %rem3A_21, %ne3A_22 : i32
    %lt3A = arith.constant 0 : i32
    %lt3A_24 = arith.cmpi slt, %rem3A_21, %lt3A : i32
    %lt3A_25 = arith.constant 0 : i32
    %lt3A_26 = arith.cmpi slt, %select_n3A_20, %lt3A_25 : i32
    %ne3A_27 = arith.xori %lt3A_24, %lt3A_26 : i1
    %and3A_28 = arith.andi %ne3A_27, %ne3A_23 : i1
    %add3A_29 = arith.addi %rem3A_21, %select_n3A_20 : i32
    %select_n3A_30 = arith.select %and3A_28, %add3A_29, %rem3A_21 : i32
    %c0_i32 = arith.constant 0 : i32
    %c0_i32_31 = arith.constant 0 : i32
    return %select_n3A_30, %c0_i32 : i32, i32
  }
  func.func @transform_3(%arg0: i32, %arg1: memref<2xi32, #tpu.memory_space<smem>>) -> i32 {
    %c0_i32 = arith.constant 0 : i32
    %c0_i32_0 = arith.constant 0 : i32
    return %c0_i32 : i32
  }
  func.func @transform_4(%arg0: i32, %arg1: memref<2xi32, #tpu.memory_space<smem>>) -> (i32, i32) {
    %get3A = arith.constant 1 : index
    %get3A_0 = memref.load %arg1[%get3A] : memref<2xi32, #tpu.memory_space<smem>>
    %jit3A = arith.constant 32768 : i32
    %div3A = arith.divsi %get3A_0, %jit3A : i32
    %sign3A = arith.constant 0 : i32
    %sign3A_1 = arith.cmpi sgt, %get3A_0, %sign3A : i32
    %sign3A_2 = arith.extui %sign3A_1 : i1 to i32
    %sign3A_3 = arith.constant 0 : i32
    %sign3A_4 = arith.cmpi slt, %get3A_0, %sign3A_3 : i32
    %sign3A_5 = arith.extui %sign3A_4 : i1 to i32
    %sign3A_6 = arith.subi %sign3A_2, %sign3A_5 : i32
    %sign3A_7 = arith.constant 0 : i32
    %sign3A_8 = arith.cmpi sgt, %jit3A, %sign3A_7 : i32
    %sign3A_9 = arith.extui %sign3A_8 : i1 to i32
    %sign3A_10 = arith.constant 0 : i32
    %sign3A_11 = arith.cmpi slt, %jit3A, %sign3A_10 : i32
    %sign3A_12 = arith.extui %sign3A_11 : i1 to i32
    %sign3A_13 = arith.subi %sign3A_9, %sign3A_12 : i32
    %ne3A = arith.cmpi ne, %sign3A_6, %sign3A_13 : i32
    %rem3A = arith.remsi %get3A_0, %jit3A : i32
    %ne3A_14 = arith.constant 0 : i32
    %ne3A_15 = arith.cmpi ne, %rem3A, %ne3A_14 : i32
    %and3A = arith.andi %ne3A, %ne3A_15 : i1
    %sub3A = arith.constant 1 : i32
    %sub3A_16 = arith.subi %div3A, %sub3A : i32
    %select_n3A = arith.select %and3A, %sub3A_16, %div3A : i32
    %add3A = arith.addi %select_n3A, %arg0 : i32
    %jit3A_17 = arith.constant 32 : i32
    %eq3A = arith.constant 0 : i32
    %eq3A_18 = arith.cmpi eq, %jit3A_17, %eq3A : i32
    %jit3A_19 = arith.constant 1 : i32
    %select_n3A_20 = arith.select %eq3A_18, %jit3A_19, %jit3A_17 : i32
    %rem3A_21 = arith.remsi %add3A, %select_n3A_20 : i32
    %ne3A_22 = arith.constant 0 : i32
    %ne3A_23 = arith.cmpi ne, %rem3A_21, %ne3A_22 : i32
    %lt3A = arith.constant 0 : i32
    %lt3A_24 = arith.cmpi slt, %rem3A_21, %lt3A : i32
    %lt3A_25 = arith.constant 0 : i32
    %lt3A_26 = arith.cmpi slt, %select_n3A_20, %lt3A_25 : i32
    %ne3A_27 = arith.xori %lt3A_24, %lt3A_26 : i1
    %and3A_28 = arith.andi %ne3A_27, %ne3A_23 : i1
    %add3A_29 = arith.addi %rem3A_21, %select_n3A_20 : i32
    %select_n3A_30 = arith.select %and3A_28, %add3A_29, %rem3A_21 : i32
    %c0_i32 = arith.constant 0 : i32
    %c0_i32_31 = arith.constant 0 : i32
    return %select_n3A_30, %c0_i32 : i32, i32
  }
}

</mosaic_0001>

<sc_bundles>
// kernel: sparse-core-data-format-call.cloned.1.call-start
scs
called_computation_lowered:
.L_overlay_start_0:
0x0: {  	s2 =	sld [smem:$0x3FD9]  }
0x1: {  	s3 =	sld [smem:$0x3FFE];
	_ =	sdelay $0x1  }
0x2: {  	s1 =	srdreg.scid  }
0x3: {  	s0 =	sand.u32 $0x1, s1  }
0x4: {  	s15 =	sshll.u32 s0, $0xA;
	s2 =	sadd.s32 s3, s2  }
0x5: {  	s2 =	sadd.s32 s2, s15  }
0x6: {  	[smem:$0x3FC4] =	sst s2  }
0x7: {  	_ = 	snop  }
0x8: {  	s2 =	sld [smem:$0x3FD0];
	_ =	sdelay $0x2  }
0x9: {  	s16 =	simm.s32 $0xA;
	s4 =	simm.s32 $0x10  }
0xa: {  	[smem:s4], [sflag:s16] =	dma.local [hbm:s2], $0x1  }
0xb: {  	_ =	swait.eq [sflag:s16], $0x1  }
0xc: {  	[sflag:s16] =	ssyncset.done $0x0  }
0xd: {  	[sflag:s16] =	ssyncadd.s32 $0xFFFFFFFF  }
0xe: {  	s17 =	sld [smem:$0x10];
	(tm) =	ssettm $0x1  }
0xf: {  	s18 =	sld [smem:$0x3FFB];
	_ =	sdelay $0x3  }
0x10: {  	_ =	strace s18  }
0x11: {  	s3 =	sld [smem:$0x3FFC];
	_ =	sdelay $0x3  }
0x12: {  	_ =	strace s3  }
0x13: {  	s3 =	sld [smem:$0x3FFD];
	_ =	sdelay $0x3  }
0x14: {  	_ =	strace s3  }
0x15: {  	_ =	strace $0x8FFFFFFF  }
0x16: {  	s19 =	sld [smem:$0x3FDB];
	_ =	sdelay $0x1  }
0x17: {  	s20 =	simm.s32 $_scs_section_size  }
0x18: {  	s5 =	simm.s32 $_size__tile_overlayer_lowered;
	s6 =	simm.s32 $_tile_overlayer_lowered  }
0x19: {  	s23 =	simm.s32 $0x1BFF;
	s22 =	sshll.u32 s6, $0x1;
	s3 =	sadd.s32 s20, s19  }
0x1a: {  	s7 =	simm.s32 $0x0;
	s21 =	sshll.u32 s5, $0x1;
	s5 =	sadd.s32 s22, s3  }
0x1b: {  	[timem:s7], [sflag:s23] =	dma.local [hbm:s5], s21  }
0x1c: {  	_ =	swait.ge [sflag:s23], s21  }
0x1d: {  	s4 =	ssub.s32 $0x0, s21;
	[sflag:s23] =	ssyncset.done $0x0  }
0x1e: {  	[sflag:s23] =	ssyncadd.s32 s4;
	_ =	sdelay $0x1  }
0x1f: {  	s24 =	simm.s32 $0x1B8B  }
0x20: {  	_ =	swait.ge [sflag:s24], $0x1  }
0x21: {  	[sflag:s24] =	ssyncset.done $0x0  }
0x22: {  	s26 =	simm.s32 $0x1B8E;
	s25 =	sld [smem:$0x3FFE];
	[sflag:s24] =	ssyncadd.s32 $0xFFFFFFFF  }
0x23: {  	s27 =	simm.s32 $execute0_lowered;
	[smem:$0x3FD2] =	sst s26  }
0x24: {  	s5 =	sshll.u32 s27, $0x1;
	_ =	strace $0x80000046;
	[dreg:$0x1] =	wrdreg $0xFFFFFFFF  }
0x25: {  	s28 =	simm.s32 $_size_execute0_lowered;
	s3 =	sadd.s32 s3, s5;
	[dreg:$0x0] =	wrdreg $0x0  }
0x26: {  	s5 =	sshll.u32 s28, $0x1;
	[dreg:$0x2] =	wrdreg s3  }
0x27: {  	[dreg:$0x3] =	wrdreg s5  }
0x28: {  	[dreg:$0x4] =	wrdreg $0xC0  }
0x29: {  	_ =	task [dreg:s7], $0x5FFFF  }
0x2a: {  	[dreg:$0x1] =	wrdreg $0xFFFFFFFF  }
0x2b: {  	[dreg:$0x0] =	wrdreg $0x60  }
0x2c: {  	[dreg:$0x2] =	wrdreg s25  }
0x2d: {  	[dreg:$0x3] =	wrdreg s17  }
0x2e: {  	[dreg:$0x4] =	wrdreg $0x9  }
0x2f: {  	_ =	task.clear_ibuf [dreg:s7], $0x5FFFF;
	_ =	strace $0x90000046  }
0x30: {  	s29 =	simm.s32 $0x9;
	_ =	strace $0x80000048  }
0x31: {  	_ =	swait.ge [sflag:s29], $0x1  }
0x32: {  	[sflag:s29] =	ssyncadd.s32 $0xFFFFFFFF  }
0x33: {  	_ =	strace $0x90000048  }
0x34: {  	_ =	sfence  }
0x35: {  	s30 =	sld [smem:$0x0];
	_ =	sdelay $0x2  }
0x36: {  	s31 =	sshll.u32 s1, $0xD;
	s1 =	sshrl.u32 s1, $0x2  }
0x37: {  	s3 =	sand.u32 $0x4000, s31;
	s1 =	sadd.s32 s1, s30  }
0x38: {  	s0 =	sor.u32 s3, s0;
	s1 =	sshll.u32 s1, $0x11  }
0x39: {  	s0 =	sor.u32 s1, s0  }
0x3a: {  	s0 =	sadd.s32 $0x8F2B, s0  }
0x3b: {  	[sflag:s0] =	ssyncadd.remote.s32 $0x1  }
0x3c: {  	_ =	sfence.sel $0xFFFF  }
0x3d: {  	[dreg:$0x0] =	wrdreg $0xFFFFFFFF;
	(pc) =	sbr.abs _section_cstart, $3  }
0x3e: {  	[dreg:$0x1] =	wrdreg $0xFFFFFFFF  }
0x3f: {  	_ =	task.clear_ibuf [dreg:s7], $0x2FFFF;
	_ =	strace $0x9FFFFFFF  }
0x40: {  	(tm) =	ssettm $0x7FFFFFFF  }
0x41: {  	_ =	shalt  }
tec
execute0_lowered:
.L_overlay_start_1:
0x0: {  	(tag) =	ssettag $0x1  }
0x1: {  	s0 =	srdreg.scid  }
0x2: {  	s1 =	sshll.u32 s0, $0x4  }
0x3: {  	s4 =	rddreg [dreg:$0x0];
	s0 =	stileid.u32;
	s1 =	sand.u32 $0x10, s1  }
0x4: {  	s2 =	rddreg [dreg:$0x1];
	s7 =	simm.s32 $0x1;
	s1 =	sor.u32 s0, s1  }
0x5: {  	s8 =	simm.s32 $0x2;
	s9 =	simm.s32 $0x0;
	s3 =	sshll.u32 s1, $0x1  }
0x6: {  	s12 =	simm.s32 $0x0;
	s11 =	simm.s32 $0x0;
	s6 =	ssub.s32 $0x400, s3  }
.Ltmp0:
0x7: {  	s4 =	sadd.s32 $0x600, s4;
	s5 =	sand.u32 $0x3E, s6;
	(pc) =	sbr.rel .LBB1_1-.Ltmp0, $4  }
0x8: {  	s1 =	rddreg [dreg:$0x2];
	_ =	strace $0x80000047;
	p0 =	sne.s32 s5, $0x0  }
0x9: {  	s6 =	sshrl.u32 s6, $0x6;
	s5 =	simm.s32 $0x1;
	s7 =	simm.s32 @!p0 $0x0  }
0xa: {  	s10 =	smov.u32 s3;
	[sflag:s5] =	ssyncpa.u1 $0x0;
	s6 =	sadd.s32 s7, s6  }
0xb: {  	[sflag:s8] =	ssyncpa.u1 $0x0;
	s8 =	simm.s32 $0x0;
	s7 =	sadd.s32 $0x1, s6  }
.LBB1_9:
0xc: {  	s14 =	sadd.s32 $0x40, s10  }
0xd: {  	p1 =	sgt.s32 s14, $0x3FF  }
0xe: {  	s14 =	smov.u32 @p1 s3;
	p1 =	sne.s32 s11, s7  }
.Ltmp1:
0xf: {  	p0 =	slt.u32 s11, $0x2;
	(pc) =	sbr.rel @!p1 .LBB1_10-.Ltmp1, $4  }
0x10: {  	s13 =	simm.s32 @!p0 $0x2  }
0x11: {  	s15 =	sadd.s32 $0x1, s11;
	_ =	swait.ge @!p0 [sflag:s13], $0x4000  }
0x12: {  	s12 =	smov.u32 s10;
	s9 =	sadd.s32 $0x4000, s9;
	[sflag:s13] =	ssyncset.done @!p0 $0x0  }
0x13: {  	s11 =	smov.u32 s15;
	s10 =	smov.u32 s14;
	[sflag:s13] =	ssyncadd.s32 @!p0 $0xFFFFC000  }
.LBB1_1:
0x14: {  	p0 =	sge.u32 s11, s6  }
0x15: {  	s13 =	sxor.u32 @!p0 $0xFFFFFFFF, s11  }
0x16: {  	s31 =	sadd.s32 $0xFFFFFFFF, s11;
	s14 =	sshll.u32 @!p0 s10, $0xA;
	s13 =	sshll.u32 @!p0 s13, $0xE  }
0x17: {  	s15 =	simm.s32 @!p0 $0x0;
	s14 =	sadd.s32 @!p0 s4, s14;
	s13 =	sand.u32 @!p0 $0x4000, s13  }
0x18: {  	[tilespmem:s13], [sflag:$0x1] =	stream.linear.gather @!p0 [hbm4b:s14+s15], $0x4000, $0x38;
	[tilespmem:$0x10000] =	vst v63  }
0x19: {  	p0 =	sge.u32 s31, s6  }
.Ltmp2:
0x1a: {  	_ = 	snop;
	(pc) =	sbr.rel @p0 .LBB1_9-.Ltmp2, $1  }
0x1b: {  	_ =	sdelay $0x3  }
0x1c: {  	s13 =	sshll.u32 s9, $0x2  }
0x1d: {  	_ =	swait.ge [sflag:s5], $0x4000;
	s14 =	sshll.u32 s11, $0xE;
	s16 =	simm.s32 $0x0  }
0x1e: {  	p1 =	por $0x1, $0x1;
	s13 =	sand.u32 $0x10000, s13;
	[sflag:s5] =	ssyncset.done $0x0  }
0x1f: {  	s14 =	sand.u32 $0x4000, s14;
	s15 =	sshrl.u32 s13, $0x2;
	[sflag:s5] =	ssyncadd.s32 $0xFFFFC000  }
0x20: {  	s13 =	sor.u32 $0x8000, s14;
	s14 =	sadd.s32 $0x8040, s15;
	s15 =	sadd.s32 $0x40, s15  }
.LBB1_3:
0x21: {  	s16 =	sshll.u32 s16, $0x2  }
0x22: {  	p0 =	por p1, p1;
	s17 =	sshra.s32 s16, $0x2  }
0x23: {  	s18 =	simm.s32 $0x0;
	s16 =	sadd.s32 s17, s14;
	s17 =	sadd.s32 s17, s15  }
.LBB1_4:
0x24: {  	v0 =	vmov s17;
	_ =	sdelay $0x3  }
0x25: {  	s20 =	simm.s32 $0x0  }
0x26: {  	v6 =	vld.idx.msk [tilespmem:v0+s20+$0x30 ss:$0x1], $0xffff  }
0x27: {  	v7 =	vld.idx.msk [tilespmem:v0+s20+$0xFFFFFFC0 ss:$0x1], $0xffff  }
0x28: {  	v5 =	vld.idx.msk [tilespmem:v0+s20+$0xFFFFFFD0 ss:$0x1], $0xffff  }
0x29: {  	v4 =	vld.idx.msk [tilespmem:v0+s20+$0xFFFFFFE0 ss:$0x1], $0xffff  }
0x2a: {  	v3 =	vld.idx.msk [tilespmem:v0+s20+$0xFFFFFFF0 ss:$0x1], $0xffff  }
0x2b: {  	v1 =	vld.idx.msk [tilespmem:v0+s20+$0x0 ss:$0x1], $0xffff  }
0x2c: {  	v2 =	vld.idx.msk [tilespmem:v0+s20+$0x10 ss:$0x1], $0xffff;
	[tilespmem:s16+$0x30] =	vst v6  }
0x2d: {  	s19 =	simm.s32 $0x80;
	s21 =	simm.s32 $0x400;
	[tilespmem:s16+$0xFFFFFFC0] =	vst v7;
	v6 =	vld.idx.msk [tilespmem:v0+s20+$0x20 ss:$0x1], $0xffff;
	s20 =	smov.u32 s16  }
.LBB1_5:
0x2e: {  	p1 =	sne.s32 s21, $0xE00;
	v7 =	vld.idx.msk [tilespmem:v0+s19+$0x30 ss:$0x1], $0xffff;
	[tilespmem:s20+$0xFFFFFFD0] =	vst v5  }
0x2f: {  	v8 =	vld.idx.msk [tilespmem:v0+s19+$0xFFFFFFC0 ss:$0x1], $0xffff;
	[tilespmem:s20+$0xFFFFFFE0] =	vst v4  }
0x30: {  	v5 =	vld.idx.msk [tilespmem:v0+s19+$0xFFFFFFD0 ss:$0x1], $0xffff;
	[tilespmem:s20+$0xFFFFFFF0] =	vst v3  }
.Ltmp3:
0x31: {  	v4 =	vld.idx.msk [tilespmem:v0+s19+$0xFFFFFFE0 ss:$0x1], $0xffff;
	[tilespmem:s20+$0x0] =	vst v1;
	(pc) =	sbr.rel @p1 .LBB1_5-.Ltmp3, $4  }
0x32: {  	v3 =	vld.idx.msk [tilespmem:v0+s19+$0xFFFFFFF0 ss:$0x1], $0xffff;
	[tilespmem:s20+$0x10] =	vst v2  }
0x33: {  	v1 =	vld.idx.msk [tilespmem:v0+s19+$0x0 ss:$0x1], $0xffff;
	[tilespmem:s20+$0x20] =	vst v6;
	s20 =	sadd.s32 $0x400, s20  }
0x34: {  	v2 =	vld.idx.msk [tilespmem:v0+s19+$0x10 ss:$0x1], $0xffff;
	[tilespmem:s20+$0x30] =	vst v7  }
0x35: {  	[tilespmem:s20+$0xFFFFFFC0] =	vst v8;
	v6 =	vld.idx.msk [tilespmem:v0+s19+$0x20 ss:$0x1], $0xffff;
	s19 =	sshra.s32 s21, $0x2;
	s21 =	sadd.s32 $0x200, s21  }
0x36: {  	_ =	sdelay $0x2  }
0x37: {  	[tilespmem:s20+$0xFFFFFFD0] =	vst v5  }
0x38: {  	v56 =	vld.idx.msk [tilespmem:v0+s19+$0x30 ss:$0x1], $0xffff;
	[tilespmem:s20+$0xFFFFFFE0] =	vst v4  }
0x39: {  	v57 =	vld.idx.msk [tilespmem:v0+s19+$0xFFFFFFC0 ss:$0x1], $0xffff;
	[tilespmem:s20+$0xFFFFFFF0] =	vst v3  }
0x3a: {  	v58 =	vld.idx.msk [tilespmem:v0+s19+$0xFFFFFFD0 ss:$0x1], $0xffff;
	[tilespmem:s20+$0x0] =	vst v1  }
0x3b: {  	v59 =	vld.idx.msk [tilespmem:v0+s19+$0xFFFFFFE0 ss:$0x1], $0xffff;
	[tilespmem:s20+$0x10] =	vst v2  }
0x3c: {  	v60 =	vld.idx.msk [tilespmem:v0+s19+$0xFFFFFFF0 ss:$0x1], $0xffff;
	s31 =	sadd.s32 $0x400, s20;
	[tilespmem:s20+$0x20] =	vst v6  }
0x3d: {  	v61 =	vld.idx.msk [tilespmem:v0+s19+$0x0 ss:$0x1], $0xffff;
	[tilespmem:s31+$0x30] =	vst v56  }
0x3e: {  	v62 =	vld.idx.msk [tilespmem:v0+s19+$0x10 ss:$0x1], $0xffff;
	s18 =	sadd.s32 $0x1, s18;
	[tilespmem:s31+$0xFFFFFFC0] =	vst v57  }
0x3f: {  	v63 =	vld.idx.msk [tilespmem:v0+s19+$0x20 ss:$0x1], $0xffff;
	p1 =	sne.s32 s18, $0x8;
	[tilespmem:s31+$0xFFFFFFD0] =	vst v58  }
.Ltmp4:
0x40: {  	[tilespmem:s31+$0xFFFFFFE0] =	vst v59;
	(pc) =	sbr.rel @p1 .LBB1_4-.Ltmp4, $4  }
0x41: {  	[tilespmem:s31+$0xFFFFFFF0] =	vst v60  }
0x42: {  	[tilespmem:s31+$0x0] =	vst v61  }
0x43: {  	[tilespmem:s31+$0x10] =	vst v62  }
0x44: {  	s16 =	sadd.s32 $0x80, s16;
	s17 =	sadd.s32 $0x400, s17;
	[tilespmem:s31+$0x20] =	vst v63  }
.Ltmp5:
0x45: {  	(pc) =	sbr.rel @p0 .LBB1_3-.Ltmp5, $2  }
0x46: {  	_ =	sdelay $0x2  }
0x47: {  	s16 =	simm.s32 $0x2000;
	p1 =	por $0x0, $0x0  }
.Ltmp6:
0x48: {  	(pc) =	sbr.rel .LBB1_9-.Ltmp6, $4  }
0x49: {  	_ = 	snop  }
0x4a: {  	s12 =	sshll.u32 s12, $0xA  }
0x4b: {  	s12 =	sadd.s32 s2, s12  }
0x4c: {  	[hbm4b:s12+s8] =	stream.linear.scatter [tilespmem:s13], [sflag:$0x2], $0x4000, $0x38;
	[tilespmem:$0x10000] =	vst v63  }
.LBB1_10:
0x4d: {  	_ =	sfence.sel $0x180000  }
0x4e: {  	s2 =	simm.s32 $0x1;
	[bflag:$0x0] =	sbarrier.arrive $0xFFFF  }
0x4f: {  	s31 =	simm.s32 $0x2;
	[sflag:s2] =	ssyncpa.u1 $0x1  }
0x50: {  	[sflag:s31] =	ssyncpa.u1 $0x1  }
0x51: {  	p0 =	sne.s32 s0, $0x0;
	_ =	strace $0x90000047  }
0x52: {  	s0 =	sadd.s32 @!p0 $0x100000, s1;
	[bflag:$0x2] =	sbarrier.arrive $0xFFFF  }
0x53: {  	[sflag:s0] =	ssyncadd.tile.s32 @!p0 $0x1;
	_ =	shalt  }
.Lfunc_end1:
_tile_overlayer_lowered:
.L_overlay_start_2:
0x54: {  	(tag) =	ssettag $0x2  }
0x55: {  	s0 =	rddreg [dreg:$0x0];
	s2 =	stileid.u32  }
0x56: {  	s1 =	rddreg [dreg:$0x1];
	p0 =	sne.s32 s2, $0x0  }
0x57: {  	s3 =	rddreg [dreg:$0x2];
	[bflag:$0x3] =	sbarrier.arrive $0xFFFF;
	s2 =	simm.s32 @!p0 $0x1C01  }
0x58: {  	[timem:s3], [sflag:s2] =	dma.local @!p0 [hbm:s0], s1  }
0x59: {  	s0 =	simm.s32 @!p0 $0x1  }
0x5a: {  	_ =	swait.ge @!p0 [sflag:s0], s1  }
0x5b: {  	s1 =	ssub.s32 @!p0 $0x0, s1;
	[sflag:s0] =	ssyncset.done @!p0 $0x0  }
0x5c: {  	[sflag:s0] =	ssyncadd.s32 @!p0 s1  }
0x5d: {  	[bflag:$0x3] =	sbarrier.arrive $0xFFFF  }
0x5e: {  	_ =	shalt  }

</sc_bundles>
